<compile_context>
chip_gen: v7x
topology: tpu7x:2x2x1
jax: 0.10.2.dev20260603
libtpu: 0.0.44.dev20260713+nightly
codegen_flags: <defaults>
</compile_context>

<pallas_src>
import jax
import jax.numpy as jnp
from jax import lax
from jax.experimental import pallas as pl
from jax.experimental.pallas import tpu as pltpu
from jax.experimental.pallas import tpu_sc as plsc

_N = 100000
_NW = 32
_ROWS = 3136
_FLAT = 2 * _ROWS
_VREGS = _FLAT // 16


def _sc_body(ap_hbm, atoms_hbm, table_hbm, out_hbm, atoms_v, ap_v, out_v, table_v):
    c = lax.axis_index("c")
    s = lax.axis_index("s")
    w = s * 2 + c
    base = jnp.minimum(w * _ROWS, _N - _ROWS)
    pltpu.sync_copy(table_hbm, table_v)
    pltpu.sync_copy(atoms_hbm.at[pl.ds(base, _ROWS)], atoms_v)
    pltpu.sync_copy(ap_hbm.at[pl.ds(2 * base, _FLAT)], ap_v)

    lane = lax.iota(jnp.int32, 16)
    col0 = (lane & 1) == 0
    half = lane >> 1

    @plsc.parallel_loop(0, _VREGS, step=1, unroll=8)
    def _(j):
        row = j * 8 + half
        aidx = plsc.load_gather(atoms_v, [row])
        refv = plsc.load_gather(table_v, [aidx])
        x = ap_v[pl.ds(j * 16, 16)]
        u = jnp.exp(-jnp.abs(x))
        t = u / (u + 2.0)
        t2 = t * t
        poly = 1.0 + t2 * (0.33333334 + t2 * (0.2 + t2 * 0.14285715))
        sp = jnp.maximum(x, 0.0) + 2.0 * t * poly + 1e-8
        out_v[pl.ds(j * 16, 16)] = jnp.where(col0, x + refv, sp)
    pltpu.sync_copy(out_v, out_hbm.at[pl.ds(2 * base, _FLAT)])


def kernel(atomwise_predictions, atoms, atom_refs):
    ap_flat = atomwise_predictions.reshape(-1)
    table = jnp.pad(atom_refs.reshape(-1), (0, 28))
    mesh = plsc.VectorSubcoreMesh(core_axis_name="c", subcore_axis_name="s")
    f = pl.kernel(
        _sc_body,
        mesh=mesh,
        compiler_params=pltpu.CompilerParams(needs_layout_passes=False),
        out_type=jax.ShapeDtypeStruct((2 * _N,), jnp.float32),
        scratch_types=[
            pltpu.VMEM((_ROWS,), jnp.int32),
            pltpu.VMEM((_FLAT,), jnp.float32),
            pltpu.VMEM((_FLAT,), jnp.float32),
            pltpu.VMEM((128,), jnp.float32),
        ],
    )
    out = f(ap_flat, atoms, table)
    return out.reshape(_N, 2)

# --- scband reference (transcript-rebuilt; emitter-appended) ---
"""Pipeline reference for scband-finalize-predictions-2619930050837 (READ-ONLY COPY).

The authoritative reference and input builder live on the scoring server;
editing this copy changes nothing except your own understanding.
"""

import jax, jax.numpy as jnp
import numpy as np

NUM_NODES = 100000
NUM_ATOM_TYPES = 100

def setup_inputs(seed: int = 0) -> dict:
    key = jax.random.key(seed)
    k1, k2 = jax.random.split(key)
    atomwise_predictions = jax.random.normal(k1, (NUM_NODES, 2), dtype=jnp.float32)
    atoms = jax.random.randint(k2, (NUM_NODES,), 0, NUM_ATOM_TYPES, dtype=jnp.int32)
    # frozen atomic reference energies, matching init_kwargs: -0.1 * (Z+1)
    atom_refs = (-(jnp.arange(NUM_ATOM_TYPES, dtype=jnp.float32) + 1.0) / 10.0).reshape(NUM_ATOM_TYPES, 1)
    return {"atomwise_predictions": atomwise_predictions, "atoms": atoms, "atom_refs": atom_refs}

def reference(atomwise_predictions, atoms, atom_refs):
    # FinalizePredictions with mean=0.0, std=1.0 (so scale_and_shift is None)
    # and atom_refs provided (AddAtomicReferences path).
    eps = 1e-08
    # preds.dim()==2 and preds.shape[-1]==2 -> stable_softplus on column 1
    preds = jnp.stack((atomwise_predictions[:, 0],
                       jax.nn.softplus(atomwise_predictions[:, 1]) + eps), axis=1)
    # AddAtomicReferences: embedding lookup then add to column 0 only
    ref = jnp.take(atom_refs, atoms, axis=0)  # [N, 1]
    preds = preds.at[:, 0].add(ref[:, 0])
    return preds

if __name__ == "__main__":
    import jax
    _d = setup_inputs()
    print(jax.jit(kernel)(*tuple(_d.values())))

</pallas_src>

<mosaic_0001>
#map = affine_map<(d0, d1) -> (0)>
module attributes {stable_mosaic.version = 14 : i64} {
  func.func @_sc_body(%arg0: i32, %arg1: i32, %arg2: memref<200000xf32, #tpu.memory_space<hbm>>, %arg3: memref<100000xi32, #tpu.memory_space<hbm>>, %arg4: memref<128xf32, #tpu.memory_space<hbm>>, %arg5: memref<200000xf32, #tpu.memory_space<hbm>>, %arg6: memref<3136xi32, #tpu.memory_space<vmem>>, %arg7: memref<6272xf32, #tpu.memory_space<vmem>>, %arg8: memref<6272xf32, #tpu.memory_space<vmem>>, %arg9: memref<128xf32, #tpu.memory_space<vmem>>) attributes {dimension_semantics = [#tpu.dimension_semantics<core_parallel>, #tpu.dimension_semantics<subcore_parallel>], iteration_bounds = array<i64: 2, 16>, scalar_prefetch = 0 : i64, scratch_operands = 4 : i64, tpu.core_type = #tpu.core_type<sc_vector_subcore>, window_params = [{transform_indices = #map}, {transform_indices = #map}, {transform_indices = #map}, {transform_indices = #map}]} {
    %mul3A = arith.constant 2 : i32
    %mul3A_0 = arith.muli %arg1, %mul3A : i32
    %add3A = arith.addi %mul3A_0, %arg0 : i32
    %mul3A_1 = arith.constant 3136 : i32
    %mul3A_2 = arith.muli %add3A, %mul3A_1 : i32
    %min3A = arith.constant 96864 : i32
    %min3A_3 = arith.minsi %mul3A_2, %min3A : i32
    "tpu.region"() ({
      %run_scoped3A = tpu.sem_alloc : memref<!tpu.dma_semaphore, #tpu.memory_space<semaphore_mem>>
      tpu.enqueue_dma source(%arg4 : memref<128xf32, #tpu.memory_space<hbm>>) target(%arg9 : memref<128xf32, #tpu.memory_space<vmem>>) target_semaphore(%run_scoped3A : memref<!tpu.dma_semaphore, #tpu.memory_space<semaphore_mem>>)
      tpu.wait_dma2 semaphore(%run_scoped3A : memref<!tpu.dma_semaphore, #tpu.memory_space<semaphore_mem>>) src(%arg4 : memref<128xf32, #tpu.memory_space<hbm>>) dst(%arg9 : memref<128xf32, #tpu.memory_space<vmem>>)
      tpu.yield
    }) : () -> ()
    "tpu.region"() ({
      %run_scoped3A = tpu.sem_alloc : memref<!tpu.dma_semaphore, #tpu.memory_space<semaphore_mem>>
      %dma_start3A = tpu.memref_slice %arg3[%min3A_3] : memref<100000xi32, #tpu.memory_space<hbm>> -> memref<3136xi32, #tpu.memory_space<hbm>>
      %dma_start3A_16 = tpu.memref_slice %arg3[%min3A_3] : memref<100000xi32, #tpu.memory_space<hbm>> -> memref<3136xi32, #tpu.memory_space<hbm>>
      tpu.enqueue_dma source(%dma_start3A_16 : memref<3136xi32, #tpu.memory_space<hbm>>) target(%arg6 : memref<3136xi32, #tpu.memory_space<vmem>>) target_semaphore(%run_scoped3A : memref<!tpu.dma_semaphore, #tpu.memory_space<semaphore_mem>>)
      %dma_wait3A = tpu.memref_slice %arg3[%min3A_3] : memref<100000xi32, #tpu.memory_space<hbm>> -> memref<3136xi32, #tpu.memory_space<hbm>>
      %dma_wait3A_17 = tpu.memref_slice %arg3[%min3A_3] : memref<100000xi32, #tpu.memory_space<hbm>> -> memref<3136xi32, #tpu.memory_space<hbm>>
      tpu.wait_dma2 semaphore(%run_scoped3A : memref<!tpu.dma_semaphore, #tpu.memory_space<semaphore_mem>>) src(%dma_wait3A_17 : memref<3136xi32, #tpu.memory_space<hbm>>) dst(%arg6 : memref<3136xi32, #tpu.memory_space<vmem>>)
      tpu.yield
    }) : () -> ()
    %mul3A_4 = arith.constant 2 : i32
    %mul3A_5 = arith.muli %mul3A_4, %min3A_3 : i32
    "tpu.region"() ({
      %run_scoped3A = tpu.sem_alloc : memref<!tpu.dma_semaphore, #tpu.memory_space<semaphore_mem>>
      %dma_start3A = tpu.memref_slice %arg2[%mul3A_5] : memref<200000xf32, #tpu.memory_space<hbm>> -> memref<6272xf32, #tpu.memory_space<hbm>>
      %dma_start3A_16 = tpu.memref_slice %arg2[%mul3A_5] : memref<200000xf32, #tpu.memory_space<hbm>> -> memref<6272xf32, #tpu.memory_space<hbm>>
      tpu.enqueue_dma source(%dma_start3A_16 : memref<6272xf32, #tpu.memory_space<hbm>>) target(%arg7 : memref<6272xf32, #tpu.memory_space<vmem>>) target_semaphore(%run_scoped3A : memref<!tpu.dma_semaphore, #tpu.memory_space<semaphore_mem>>)
      %dma_wait3A = tpu.memref_slice %arg2[%mul3A_5] : memref<200000xf32, #tpu.memory_space<hbm>> -> memref<6272xf32, #tpu.memory_space<hbm>>
      %dma_wait3A_17 = tpu.memref_slice %arg2[%mul3A_5] : memref<200000xf32, #tpu.memory_space<hbm>> -> memref<6272xf32, #tpu.memory_space<hbm>>
      tpu.wait_dma2 semaphore(%run_scoped3A : memref<!tpu.dma_semaphore, #tpu.memory_space<semaphore_mem>>) src(%dma_wait3A_17 : memref<6272xf32, #tpu.memory_space<hbm>>) dst(%arg7 : memref<6272xf32, #tpu.memory_space<vmem>>)
      tpu.yield
    }) : () -> ()
    %iota3A = tpu.iota {dimensions = array<i32: 0>} : vector<16xi32>
    %and3A = arith.constant 1 : i32
    %and3A_6 = vector.broadcast %and3A : i32 to vector<16xi32>
    %and3A_7 = arith.andi %iota3A, %and3A_6 : vector<16xi32>
    %eq3A = arith.constant 0 : i32
    %eq3A_8 = vector.broadcast %eq3A : i32 to vector<16xi32>
    %eq3A_9 = arith.cmpi eq, %and3A_7, %eq3A_8 : vector<16xi32>
    %shift_right_arithmetic3A = arith.constant 1 : i32
    %shift_right_arithmetic3A_10 = vector.broadcast %shift_right_arithmetic3A : i32 to vector<16xi32>
    %shift_right_arithmetic3A_11 = arith.shrsi %iota3A, %shift_right_arithmetic3A_10 : vector<16xi32>
    %parallel_loop3A = arith.constant 0 : i32
    %parallel_loop3A_12 = arith.constant 392 : i32
    %parallel_loop3A_13 = arith.constant 1 : i32
    scf.for %parallel_loop3A_16 = %parallel_loop3A to %parallel_loop3A_12 step %parallel_loop3A_13  : i32 {
      %parallel_loop3A_17 = arith.constant 8 : i32
      %parallel_loop3A_18 = arith.muli %parallel_loop3A_16, %parallel_loop3A_17 : i32
      %parallel_loop3A_19 = vector.broadcast %parallel_loop3A_18 : i32 to vector<16xi32>
      %parallel_loop3A_20 = arith.addi %parallel_loop3A_19, %shift_right_arithmetic3A_11 : vector<16xi32>
      %parallel_loop3A_21 = tpu.vector_load_idx %arg6[%parallel_loop3A_20] : memref<3136xi32, #tpu.memory_space<vmem>>[vector<16xi32>], vector<16xi32>,
      %parallel_loop3A_22 = tpu.vector_load_idx %arg9[%parallel_loop3A_21] : memref<128xf32, #tpu.memory_space<vmem>>[vector<16xi32>], vector<16xf32>,
      %parallel_loop3A_23 = arith.constant 16 : i32
      %parallel_loop3A_24 = arith.muli %parallel_loop3A_16, %parallel_loop3A_23 : i32
      %parallel_loop3A_25 = arith.index_cast %parallel_loop3A_24 : i32 to index
      %parallel_loop3A_26 = tpu.vector_load %arg7[%parallel_loop3A_25] {strides = array<i32>} : memref<6272xf32, #tpu.memory_space<vmem>>, vector<16xf32>,
      %parallel_loop3A_27 = math.absf %parallel_loop3A_26 : vector<16xf32>
      %parallel_loop3A_28 = arith.constant 0.000000e+00 : f32
      %parallel_loop3A_29 = vector.broadcast %parallel_loop3A_28 : f32 to vector<16xf32>
      %parallel_loop3A_30 = arith.subf %parallel_loop3A_29, %parallel_loop3A_27 : vector<16xf32>
      %parallel_loop3A_31 = math.exp %parallel_loop3A_30 : vector<16xf32>
      %parallel_loop3A_32 = arith.constant 2.000000e+00 : f32
      %parallel_loop3A_33 = vector.broadcast %parallel_loop3A_32 : f32 to vector<16xf32>
      %parallel_loop3A_34 = arith.addf %parallel_loop3A_31, %parallel_loop3A_33 : vector<16xf32>
      %parallel_loop3A_35 = arith.divf %parallel_loop3A_31, %parallel_loop3A_34 : vector<16xf32>
      %parallel_loop3A_36 = arith.mulf %parallel_loop3A_35, %parallel_loop3A_35 : vector<16xf32>
      %parallel_loop3A_37 = arith.constant 0.142857149 : f32
      %parallel_loop3A_38 = vector.broadcast %parallel_loop3A_37 : f32 to vector<16xf32>
      %parallel_loop3A_39 = arith.mulf %parallel_loop3A_36, %parallel_loop3A_38 : vector<16xf32>
      %parallel_loop3A_40 = arith.constant 2.000000e-01 : f32
      %parallel_loop3A_41 = vector.broadcast %parallel_loop3A_40 : f32 to vector<16xf32>
      %parallel_loop3A_42 = arith.addf %parallel_loop3A_41, %parallel_loop3A_39 : vector<16xf32>
      %parallel_loop3A_43 = arith.mulf %parallel_loop3A_36, %parallel_loop3A_42 : vector<16xf32>
      %parallel_loop3A_44 = arith.constant 0.333333343 : f32
      %parallel_loop3A_45 = vector.broadcast %parallel_loop3A_44 : f32 to vector<16xf32>
      %parallel_loop3A_46 = arith.addf %parallel_loop3A_45, %parallel_loop3A_43 : vector<16xf32>
      %parallel_loop3A_47 = arith.mulf %parallel_loop3A_36, %parallel_loop3A_46 : vector<16xf32>
      %parallel_loop3A_48 = arith.constant 1.000000e+00 : f32
      %parallel_loop3A_49 = vector.broadcast %parallel_loop3A_48 : f32 to vector<16xf32>
      %parallel_loop3A_50 = arith.addf %parallel_loop3A_49, %parallel_loop3A_47 : vector<16xf32>
      %parallel_loop3A_51 = arith.constant 0.000000e+00 : f32
      %parallel_loop3A_52 = vector.broadcast %parallel_loop3A_51 : f32 to vector<16xf32>
      %parallel_loop3A_53 = arith.maximumf %parallel_loop3A_26, %parallel_loop3A_52 : vector<16xf32>
      %parallel_loop3A_54 = arith.constant 2.000000e+00 : f32
      %parallel_loop3A_55 = vector.broadcast %parallel_loop3A_54 : f32 to vector<16xf32>
      %parallel_loop3A_56 = arith.mulf %parallel_loop3A_55, %parallel_loop3A_35 : vector<16xf32>
      %parallel_loop3A_57 = arith.mulf %parallel_loop3A_56, %parallel_loop3A_50 : vector<16xf32>
      %parallel_loop3A_58 = arith.addf %parallel_loop3A_53, %parallel_loop3A_57 : vector<16xf32>
      %parallel_loop3A_59 = arith.constant 9.99999993E-9 : f32
      %parallel_loop3A_60 = vector.broadcast %parallel_loop3A_59 : f32 to vector<16xf32>
      %parallel_loop3A_61 = arith.addf %parallel_loop3A_58, %parallel_loop3A_60 : vector<16xf32>
      %parallel_loop3A_62 = arith.addf %parallel_loop3A_26, %parallel_loop3A_22 : vector<16xf32>
      %parallel_loop3A_63 = arith.select %eq3A_9, %parallel_loop3A_62, %parallel_loop3A_61 : vector<16xi1>, vector<16xf32>
      %parallel_loop3A_64 = arith.constant 16 : i32
      %parallel_loop3A_65 = arith.muli %parallel_loop3A_16, %parallel_loop3A_64 : i32
      %parallel_loop3A_66 = arith.index_cast %parallel_loop3A_65 : i32 to index
      %parallel_loop3A_67 = tpu.vector_load %arg8[%parallel_loop3A_66] {strides = array<i32>} : memref<6272xf32, #tpu.memory_space<vmem>>, vector<16xf32>,
      tpu.vector_store %arg8[%parallel_loop3A_66], %parallel_loop3A_63 {strides = array<i32>} : memref<6272xf32, #tpu.memory_space<vmem>>, vector<16xf32>,
    } {sc.loop_unroll_factor = 8 : i64, sc.parallel_access}
    %mul3A_14 = arith.constant 2 : i32
    %mul3A_15 = arith.muli %mul3A_14, %min3A_3 : i32
    "tpu.region"() ({
      %run_scoped3A = tpu.sem_alloc : memref<!tpu.dma_semaphore, #tpu.memory_space<semaphore_mem>>
      %dma_start3A = tpu.memref_slice %arg5[%mul3A_15] : memref<200000xf32, #tpu.memory_space<hbm>> -> memref<6272xf32, #tpu.memory_space<hbm>>
      %dma_start3A_16 = tpu.memref_slice %arg5[%mul3A_15] : memref<200000xf32, #tpu.memory_space<hbm>> -> memref<6272xf32, #tpu.memory_space<hbm>>
      tpu.enqueue_dma source(%arg8 : memref<6272xf32, #tpu.memory_space<vmem>>) target(%dma_start3A_16 : memref<6272xf32, #tpu.memory_space<hbm>>) target_semaphore(%run_scoped3A : memref<!tpu.dma_semaphore, #tpu.memory_space<semaphore_mem>>)
      %dma_wait3A = tpu.memref_slice %arg5[%mul3A_15] : memref<200000xf32, #tpu.memory_space<hbm>> -> memref<6272xf32, #tpu.memory_space<hbm>>
      %dma_wait3A_17 = tpu.memref_slice %arg5[%mul3A_15] : memref<200000xf32, #tpu.memory_space<hbm>> -> memref<6272xf32, #tpu.memory_space<hbm>>
      tpu.wait_dma2 semaphore(%run_scoped3A : memref<!tpu.dma_semaphore, #tpu.memory_space<semaphore_mem>>) src(%arg8 : memref<6272xf32, #tpu.memory_space<vmem>>) dst(%dma_wait3A_17 : memref<6272xf32, #tpu.memory_space<hbm>>)
      tpu.yield
    }) : () -> ()
    return
  }
}

</mosaic_0001>

<sc_bundles>
// kernel: kernel.3.cloned.1.call-start
scs
__scs_entry_jumppad:
0x0: {  	(pc) =	sbr.rel $0x88, $3  }
0x1: {  	(tag) =	ssettag $0x0;
	lr =	simm.s32 $0x1  }
0x2: {  	[smem:$0x3F9E] =	sst lr;
	_ =	strace $0xD0000000  }
0x3: {  	_ = 	snop  }
0x4: {  	_ = 	snop  }
0x5: {  	_ = 	snop  }
0x6: {  	_ = 	snop  }
0x7: {  	_ = 	snop  }
__scs_overlays_trampoline_lowered:
0x8: {  	[smem:$0x3FAD] =	sst s0  }
0x9: {  	[smem:$0x3FAE] =	sst s1  }
0xa: {  	[smem:$0x3FAF] =	sst s2  }
0xb: {  	[smem:$0x3FB0] =	sst s3  }
0xc: {  	[smem:$0x3FB1] =	sst s4  }
0xd: {  	[smem:$0x3FB2] =	sst s5  }
0xe: {  	[smem:$0x3FB3] =	sst s6  }
0xf: {  	[smem:$0x3FB4] =	sst s7  }
0x10: {  	[smem:$0x3FB5] =	sst s8  }
0x11: {  	[smem:$0x3FB6] =	sst s9;
	s0 =	simm.s32 @!p0 $0x0  }
0x12: {  	s1 =	sld [smem:$0x3F9C];
	s0 =	simm.s32 @p0 $0x1  }
0x13: {  	[smem:$0x3FB7] =	sst s0;
	s0 =	simm.s32 @!p1 $0x0  }
0x14: {  	s2 =	sld [smem:$0x3F9B];
	s0 =	simm.s32 @p1 $0x1  }
0x15: {  	[smem:$0x3FB8] =	sst s0;
	s0 =	simm.s32 @!p2 $0x0  }
0x16: {  	s3 =	sld [smem:$0x3FDB];
	s0 =	simm.s32 @p2 $0x1  }
0x17: {  	s4 =	simm.s32 $0x1BF5;
	[smem:$0x3FBA] =	sst s0  }
0x18: {  	s0 =	sld [smem:$0x3F9D];
	_ =	swait.ge [sflag:s4], $0x0  }
0x19: {  	s7 =	sld [smem:$0x3F9E]  }
0x1a: {  	s8 =	sadd.s32 $0xFFFFE003, lr  }
0x1b: {  	s9 =	sadd.s32 $0xFFFFFEF7, lr;
	s5 =	simm.s32 $0xFFFFFFFF;
	p2 =	slt.u32 s8, $0xFFFFF086  }
0x1c: {  	p1 =	slt.u32 s9, $0xF7A;
	s5 =	simm.s32 @!p2 $0x0  }
0x1d: {  	s5 =	simm.s32 @p1 $0x1;
	p0 =	seq.s32 s7, s2  }
0x1e: {  	s7 =	smul.u32 @!p0 $0xF7A, s2;
	p2 =	seq.s32 @!p0 s5, $0x0  }
0x1f: {  	s9 =	smul.u32 $0xF7A, s1;
	s8 =	simm.s32 @!p0 $0x1BF5;
	p2 =	por !p2, p0  }
0x20: {  	[sflag:s8] =	ssyncset.s32 @!p0 $0xFFFFF086;
	s6 =	sadd.s32 @!p0 s3, s7;
	s7 =	simm.s32 @!p0 $0x108  }
0x21: {  	s3 =	sadd.s32 s3, s9;
	s6 =	sadd.s32 @!p0 $0x88, s6;
	s7 =	simm.s32 @p2 $0x1082  }
0x22: {  	[simem:s7], [sflag:s8] =	dma.local @!p0 [hbm:s6], $0xF7A  }
0x23: {  	s9 =	sor.u32 $0xD0000000, s2;
	s6 =	simm.s32 $0x108;
	_ =	swait.ge @!p0 [sflag:s8], $0x0  }
0x24: {  	s3 =	sadd.s32 $0x88, s3;
	s6 =	simm.s32 @!p1 $0x1082;
	[sflag:s4] =	ssyncset.s32 $0xFFFFF086  }
0x25: {  	[simem:s6], [sflag:s4] =	dma.local [hbm:s3], $0xF7A  }
0x26: {  	[smem:$0x3F9E] =	sst s1;
	(tag) =	ssettag s2;
	_ =	strace s9  }
0x27: {  	s1 =	sld [smem:$0x3FAE]  }
0x28: {  	s2 =	sld [smem:$0x3FAF]  }
0x29: {  	s4 =	sld [smem:$0x3FB1]  }
0x2a: {  	p0 =	seq.s32 s5, $0x0;
	s5 =	sld [smem:$0x3FB2]  }
0x2b: {  	s6 =	sld [smem:$0x3FB3]  }
0x2c: {  	s7 =	sld [smem:$0x3FB4]  }
0x2d: {  	s3 =	simm.s32 $0x108;
	s8 =	sld [smem:$0x3FB5]  }
0x2e: {  	s3 =	simm.s32 @!p0 $0x1082;
	s9 =	sld [smem:$0x3FB6]  }
0x2f: {  	lr =	sadd.s32 s0, s3;
	s0 =	sld [smem:$0x3FAD]  }
0x30: {  	s3 =	sld [smem:$0x3FB0]  }
0x31: {  	[smem:$0x3FB9] =	sst s10  }
0x32: {  	s10 =	sld [smem:$0x3FB7];
	_ =	sdelay $0x3  }
0x33: {  	p0 =	seq.s32 s10, $0x1;
	s10 =	sld [smem:$0x3FB9];
	_ =	sdelay $0x3  }
0x34: {  	[smem:$0x3FB9] =	sst s10  }
0x35: {  	s10 =	sld [smem:$0x3FB8];
	_ =	sdelay $0x3  }
0x36: {  	p1 =	seq.s32 s10, $0x1;
	s10 =	sld [smem:$0x3FB9];
	_ =	sdelay $0x3  }
0x37: {  	[smem:$0x3FB9] =	sst s10  }
0x38: {  	s10 =	sld [smem:$0x3FBA]  }
0x39: {  	_ = 	snop;
	(pc) =	sbr.ind lr, $3  }
0x3a: {  	_ = 	snop  }
0x3b: {  	_ = 	snop  }
0x3c: {  	p2 =	seq.s32 s10, $0x1;
	s10 =	sld [smem:$0x3FB9]  }
0x3d: {  	_ =	shalt  }
0x3e: {  	_ =	shalt  }
0x3f: {  	_ =	shalt  }
0x40: {  	_ =	shalt  }
0x41: {  	_ =	shalt  }
0x42: {  	_ =	shalt  }
0x43: {  	_ =	shalt  }
0x44: {  	_ =	shalt  }
0x45: {  	_ =	shalt  }
0x46: {  	_ =	shalt  }
0x47: {  	_ =	shalt  }
0x48: {  	_ =	shalt  }
0x49: {  	_ =	shalt  }
0x4a: {  	_ =	shalt  }
0x4b: {  	_ =	shalt  }
0x4c: {  	_ =	shalt  }
0x4d: {  	_ =	shalt  }
0x4e: {  	_ =	shalt  }
0x4f: {  	_ =	shalt  }
0x50: {  	_ =	shalt  }
0x51: {  	_ =	shalt  }
0x52: {  	_ =	shalt  }
0x53: {  	_ =	shalt  }
0x54: {  	_ =	shalt  }
0x55: {  	_ =	shalt  }
0x56: {  	_ =	shalt  }
0x57: {  	_ =	shalt  }
0x58: {  	_ =	shalt  }
0x59: {  	_ =	shalt  }
0x5a: {  	_ =	shalt  }
0x5b: {  	_ =	shalt  }
0x5c: {  	_ =	shalt  }
0x5d: {  	_ =	shalt  }
0x5e: {  	_ =	shalt  }
0x5f: {  	_ =	shalt  }
0x60: {  	_ =	shalt  }
0x61: {  	_ =	shalt  }
0x62: {  	_ =	shalt  }
0x63: {  	_ =	shalt  }
0x64: {  	_ =	shalt  }
0x65: {  	_ =	shalt  }
0x66: {  	_ =	shalt  }
0x67: {  	_ =	shalt  }
0x68: {  	_ =	shalt  }
0x69: {  	_ =	shalt  }
0x6a: {  	_ =	shalt  }
0x6b: {  	_ =	shalt  }
0x6c: {  	_ =	shalt  }
0x6d: {  	_ =	shalt  }
0x6e: {  	_ =	shalt  }
0x6f: {  	_ =	shalt  }
0x70: {  	_ =	shalt  }
0x71: {  	_ =	shalt  }
0x72: {  	_ =	shalt  }
0x73: {  	_ =	shalt  }
0x74: {  	_ =	shalt  }
0x75: {  	_ =	shalt  }
0x76: {  	_ =	shalt  }
0x77: {  	_ =	shalt  }
0x78: {  	_ =	shalt  }
0x79: {  	_ =	shalt  }
0x7a: {  	_ =	shalt  }
0x7b: {  	_ =	shalt  }
0x7c: {  	_ =	shalt  }
0x7d: {  	_ =	shalt  }
0x7e: {  	_ =	shalt  }
0x7f: {  	_ =	shalt  }
0x80: {  	_ =	shalt  }
0x81: {  	_ =	shalt  }
0x82: {  	_ =	shalt  }
0x83: {  	_ =	shalt  }
0x84: {  	_ =	shalt  }
0x85: {  	_ =	shalt  }
0x86: {  	_ =	shalt  }
0x87: {  	_ =	shalt  }
.Lfunc_end0:
.L_simem_size_0:
called_computation_lowered:
.L_overlay_start_0:
0x88: {  	s2 =	sld [smem:$0x3FD9]  }
0x89: {  	s3 =	sld [smem:$0x3FFE];
	_ =	sdelay $0x1  }
0x8a: {  	s1 =	srdreg.scid  }
0x8b: {  	s0 =	sand.u32 $0x1, s1  }
0x8c: {  	s17 =	sshll.u32 s0, $0xA;
	s2 =	sadd.s32 s3, s2  }
0x8d: {  	s2 =	sadd.s32 s2, s17  }
0x8e: {  	[smem:$0x3FC5] =	sst s2  }
0x8f: {  	_ = 	snop  }
0x90: {  	s2 =	sld [smem:$0x3FC8]  }
0x91: {  	s18 =	sld [smem:$0x3FD0];
	(tm) =	ssettm $0x1  }
0x92: {  	s4 =	sld [smem:$0x3FFB];
	_ =	sdelay $0x3  }
0x93: {  	_ =	strace s4  }
0x94: {  	s4 =	sld [smem:$0x3FFC];
	_ =	sdelay $0x3  }
0x95: {  	_ =	strace s4  }
0x96: {  	s4 =	sld [smem:$0x3FFD];
	_ =	sdelay $0x3  }
0x97: {  	_ =	strace s4  }
0x98: {  	_ =	strace $0x8FFFFFFF  }
0x99: {  	s19 =	sld [smem:$0x3FDB];
	_ =	sdelay $0x1  }
0x9a: {  	s5 =	simm.s32 $_scs_section_size  }
0x9b: {  	s6 =	simm.s32 $_size__tile_overlayer_lowered;
	s7 =	simm.s32 $_tile_overlayer_lowered  }
0x9c: {  	s22 =	simm.s32 $0x1BFF;
	s21 =	sshll.u32 s7, $0x1;
	s4 =	sadd.s32 s5, s19  }
0x9d: {  	s8 =	simm.s32 $0x0;
	s20 =	sshll.u32 s6, $0x1;
	s6 =	sadd.s32 s21, s4  }
0x9e: {  	[timem:s8], [sflag:s22] =	dma.local [hbm:s6], s20  }
0x9f: {  	_ =	swait.ge [sflag:s22], s20  }
0xa0: {  	s5 =	ssub.s32 $0x0, s20;
	[sflag:s22] =	ssyncset.done $0x0  }
0xa1: {  	[sflag:s22] =	ssyncadd.s32 s5;
	_ =	sdelay $0x1  }
0xa2: {  	s23 =	simm.s32 $0x1B8B  }
0xa3: {  	_ =	swait.ge [sflag:s23], $0x1  }
0xa4: {  	[sflag:s23] =	ssyncset.done $0x0  }
0xa5: {  	s25 =	simm.s32 $0x1B8E;
	s24 =	sld [smem:$0x3FFE];
	[sflag:s23] =	ssyncadd.s32 $0xFFFFFFFF  }
0xa6: {  	s26 =	simm.s32 $execute0_lowered;
	[smem:$0x3FD2] =	sst s25  }
0xa7: {  	s6 =	sshll.u32 s26, $0x1;
	_ =	strace $0x80000046;
	[dreg:$0x1] =	wrdreg $0xFFFFFFFF  }
0xa8: {  	s28 =	simm.s32 $_size_execute0_lowered;
	s4 =	sadd.s32 s4, s6;
	[dreg:$0x0] =	wrdreg $0x0  }
0xa9: {  	s6 =	sshll.u32 s28, $0x1;
	[dreg:$0x2] =	wrdreg s4  }
0xaa: {  	[dreg:$0x3] =	wrdreg s6  }
0xab: {  	[dreg:$0x4] =	wrdreg $0xC0  }
0xac: {  	_ =	task [dreg:s8], $0x5FFFF  }
0xad: {  	[dreg:$0x1] =	wrdreg $0xFFFFFFFF  }
0xae: {  	[dreg:$0x0] =	wrdreg $0x60  }
0xaf: {  	[dreg:$0x2] =	wrdreg s24  }
0xb0: {  	[dreg:$0x3] =	wrdreg s2  }
0xb1: {  	[dreg:$0x4] =	wrdreg s18  }
0xb2: {  	[dreg:$0x5] =	wrdreg $0x9  }
0xb3: {  	_ =	task.clear_ibuf [dreg:s8], $0x6FFFF;
	_ =	strace $0x90000046  }
0xb4: {  	s29 =	simm.s32 $0x9;
	_ =	strace $0x80000048  }
0xb5: {  	_ =	swait.ge [sflag:s29], $0x1  }
0xb6: {  	[sflag:s29] =	ssyncadd.s32 $0xFFFFFFFF  }
0xb7: {  	_ =	strace $0x90000048  }
0xb8: {  	_ =	sfence  }
0xb9: {  	s30 =	sld [smem:$0x0];
	_ =	sdelay $0x2  }
0xba: {  	s31 =	sshll.u32 s1, $0xD;
	s1 =	sshrl.u32 s1, $0x2  }
0xbb: {  	s3 =	sand.u32 $0x4000, s31;
	s1 =	sadd.s32 s1, s30  }
0xbc: {  	s0 =	sor.u32 s3, s0;
	s1 =	sshll.u32 s1, $0x11  }
0xbd: {  	s0 =	sor.u32 s1, s0  }
0xbe: {  	s0 =	sadd.s32 $0x8F2B, s0  }
0xbf: {  	[sflag:s0] =	ssyncadd.remote.s32 $0x1  }
0xc0: {  	_ =	sfence.sel $0xFFFF  }
0xc1: {  	[dreg:$0x0] =	wrdreg $0xFFFFFFFF;
	(pc) =	sbr.abs _section_cstart, $3  }
0xc2: {  	[dreg:$0x1] =	wrdreg $0xFFFFFFFF  }
0xc3: {  	_ =	task.clear_ibuf [dreg:s8], $0x2FFFF;
	_ =	strace $0x9FFFFFFF  }
0xc4: {  	(tm) =	ssettm $0x7FFFFFFF  }
0xc5: {  	_ =	shalt  }
tec
execute0_lowered:
.L_overlay_start_1:
0x0: {  	(tag) =	ssettag $0x1  }
0x1: {  	s4 =	rddreg [dreg:$0x0]  }
0x2: {  	s1 =	srdreg.scid;
	s6 =	rddreg [dreg:$0x1]  }
0x3: {  	s0 =	stileid.u32;
	s2 =	rddreg [dreg:$0x2]  }
0x4: {  	vm0 =	vcmask $0xB08;
	vm1 =	vcmask $0x300;
	s3 =	simm.s32 $0x0;
	s5 =	sand.u32 $0x1, s1;
	s30 =	sshll.u32 s0, $0x1  }
0x5: {  	s10 =	simm.s32 $0xC80;
	s11 =	simm.s32 $0x2500;
	vm0 =	vmor vm1, vm0;
	vm1 =	vcmask $0x1310;
	s1 =	sor.u32 s5, s30  }
0x6: {  	[smem:$0x7FF] =	sst s3;
	s5 =	ssub.s32 $0x2, s5;
	vm0 =	vmor vm0, vm1;
	vm1 =	vcmask $0x1B18;
	s7 =	smul.u32 $0xC40, s1  }
0x7: {  	s12 =	simm.s32 $0x0;
	s1 =	rddreg [dreg:$0x3];
	s9 =	sshrl.u32 s5, $0x1;
	vm0 =	vmor vm0, vm1;
	vm1 =	vcmask $0x2320  }
0x8: {  	_ =	strace $0x80000047;
	s9 =	ssub.s32 s5, s9;
	vm0 =	vmor vm0, vm1;
	vm1 =	vcmask $0x2B28;
	s7 =	smin.u32 s7, $0x17A60  }
0x9: {  	vm0 =	vmor vm0, vm1;
	vm1 =	vcmask $0x3330;
	s8 =	sshrl.u32 s7, $0x2;
	s31 =	sshrl.u32 s7, $0x3;
	s7 =	smax.u32 s9, $0x1  }
0xa: {  	v0 =	vlaneseq.u32;
	s9 =	simm.s32 $0x1;
	vm0 =	vmor vm0, vm1;
	vm1 =	vcmask $0x3B38;
	s8 =	sadd.s32 s8, s4;
	s4 =	sadd.s32 s6, s31  }
0xb: {  	v0 =	vshrl.u32 v0, $0x1;
	vm0 =	vmor vm0, vm1;
	s5 =	sadd.s32 $0x187000, s8;
	s6 =	sadd.s32 $0x600, s8;
	s8 =	simm.s32 $0x3D80  }
.LBB2_1:
0xc: {  	[tilespmem:s8], [sflag:$0x1] =	stream.linear.gather [hbm4b:s2+s3], $0x80, $0x38;
	[tilespmem:$0x3E00] =	vst v63  }
0xd: {  	_ =	swait.ge [sflag:s9], $0x80  }
0xe: {  	[sflag:s9] =	ssyncset.done $0x0  }
0xf: {  	[sflag:s9] =	ssyncadd.s32 $0xFFFFFF80  }
0x10: {  	[tilespmem:s3], [sflag:$0x1] =	stream.linear.gather [hbm4b:s4+s3], $0xC40, $0x38;
	[tilespmem:$0x3E00] =	vst v63  }
0x11: {  	_ =	swait.ge [sflag:s9], $0xC40  }
0x12: {  	[sflag:s9] =	ssyncset.done $0x0  }
0x13: {  	[sflag:s9] =	ssyncadd.s32 $0xFFFFF3C0  }
0x14: {  	[tilespmem:s10], [sflag:$0x1] =	stream.linear.gather [hbm4b:s5+s3], $0x1880, $0x38;
	[tilespmem:$0x3E00] =	vst v63  }
0x15: {  	_ =	swait.ge [sflag:s9], $0x1880  }
0x16: {  	[sflag:s9] =	ssyncset.done $0x0  }
0x17: {  	s13 =	simm.s32 $0xCC0;
	[sflag:s9] =	ssyncadd.s32 $0xFFFFE780  }
0x18: {  	v1 =	vld [tilespmem:s13+$0x30];
	_ =	sdelay $0x3  }
0x19: {  	v24 =	vld [tilespmem:s13+$0xFFFFFFC0]  }
0x1a: {  	v23 =	vld [tilespmem:s13+$0xFFFFFFD0];
	v2 =	vand.u32 $0x7FFFFFFF, v1  }
0x1b: {  	v22 =	vld [tilespmem:s13+$0xFFFFFFE0];
	v2 =	vsub.f32 $0.0e+00, v2  }
0x1c: {  	v20 =	vld [tilespmem:s13+$0xFFFFFFF0]  }
0x1d: {  	s18 =	simm.s32 $0x38;
	s14 =	simm.s32 $0x8;
	v18 =	vld [tilespmem:s13+$0x0];
	v2 =	vmul.f32 $1.442695020e+00, v2  }
0x1e: {  	s15 =	simm.s32 $0x10;
	v30 =	vor.u32 s18, v0;
	v29 =	vor.u32 s14, v0  }
0x1f: {  	s21 =	simm.s32 $0x0;
	v28 =	vor.u32 s15, v0;
	v19 =	vld [tilespmem:s13+$0x10];
	v3 =	vand.u32 $0x7FFFFFFF, v24;
	(erf) = vpow2.f32 v2  }
0x20: {  	v33 =	vor.u32 s21, v0;
	v4 =	vand.u32 $0x7FFFFFFF, v23;
	v3 =	vsub.f32 $0.0e+00, v3  }
0x21: {  	v5 =	vand.u32 $0x7FFFFFFF, v20;
	v2 =	vsub.f32 $0.0e+00, v4;
	v4 =	vand.u32 $0x7FFFFFFF, v22  }
0x22: {  	v21 =	vld [tilespmem:s13+$0x20];
	v6 =	vand.u32 $0x7FFFFFFF, v18;
	v3 =	vmul.f32 $1.442695020e+00, v3;
	v4 =	vsub.f32 $0.0e+00, v4  }
0x23: {  	v5 =	vsub.f32 $0.0e+00, v5;
	v6 =	vsub.f32 $0.0e+00, v6;
	v2 =	vmul.f32 $1.442695020e+00, v2  }
0x24: {  	(erf) = vpow2.f32 v3;
	v3 =	vand.u32 $0x7FFFFFFF, v19;
	v4 =	vmul.f32 $1.442695020e+00, v4  }
0x25: {  	s20 =	simm.s32 $0x28;
	v5 =	vmul.f32 $1.442695020e+00, v5;
	(erf) = vpow2.f32 v2;
	v2 =	vsub.f32 $0.0e+00, v3  }
0x26: {  	v27 =	vor.u32 s20, v0;
	v6 =	vmul.f32 $1.442695020e+00, v6;
	(erf) = vpow2.f32 v4  }
0x27: {  	v3 =	vand.u32 $0x7FFFFFFF, v21;
	v2 =	vmul.f32 $1.442695020e+00, v2;
	(erf) = vpow2.f32 v5  }
0x28: {  	v30 =	vld.idx.msk [tilespmem:v30+s3+$0x0], $0xffff;
	v3 =	vsub.f32 $0.0e+00, v3;
	(erf) = vpow2.f32 v6;
	v4 =	vpop (erf)  }
0x29: {  	v33 =	vld.idx.msk [tilespmem:v33+s3+$0x0], $0xffff;
	(erf) = vpow2.f32 v2;
	v2 =	vadd.f32 $2.000000000e+00, v4  }
0x2a: {  	v29 =	vld.idx.msk [tilespmem:v29+s3+$0x0], $0xffff;
	v3 =	vmul.f32 $1.442695020e+00, v3  }
0x2b: {  	v28 =	vld.idx.msk [tilespmem:v28+s3+$0x0], $0xffff  }
0x2c: {  	v27 =	vld.idx.msk [tilespmem:v27+s3+$0x0], $0xffff;
	(erf) = vpow2.f32 v3  }
0x2d: {  	(erf) = vrcp.f32 v2;
	v2 =	vpop (erf)  }
0x2e: {  	v3 =	vadd.f32 $2.000000000e+00, v2;
	v5 =	vpop (erf)  }
0x2f: {  	v6 =	vadd.f32 $2.000000000e+00, v5;
	v7 =	vpop (erf)  }
0x30: {  	v30 =	vld.idx.msk [tilespmem:v30+s8+$0x0], $0xffff;
	(erf) = vrcp.f32 v3;
	v3 =	vadd.f32 $2.000000000e+00, v7;
	v25 =	vpop (erf)  }
0x31: {  	v33 =	vld.idx.msk [tilespmem:v33+s8+$0x0], $0xffff;
	(erf) = vrcp.f32 v6;
	v6 =	vadd.f32 $2.000000000e+00, v25;
	v26 =	vpop (erf)  }
0x32: {  	v29 =	vld.idx.msk [tilespmem:v29+s8+$0x0], $0xffff;
	v11 =	vadd.f32 $2.000000000e+00, v26;
	(erf) = vrcp.f32 v3  }
0x33: {  	v10 =	vmax.f32 v24, $0.0e+00;
	v28 =	vld.idx.msk [tilespmem:v28+s8+$0x0], $0xffff;
	(erf) = vrcp.f32 v6  }
0x34: {  	v8 =	vmax.f32 v23, $0.0e+00;
	v9 =	vmax.f32 v22, $0.0e+00;
	v27 =	vld.idx.msk [tilespmem:v27+s8+$0x0], $0xffff;
	v3 =	vpop (erf);
	(erf) = vrcp.f32 v11  }
0x35: {  	v13 =	vmax.f32 v20, $0.0e+00;
	v14 =	vmax.f32 v18, $0.0e+00;
	v12 =	vadd.f32 $2.000000000e+00, v3;
	v6 =	vpop (erf)  }
0x36: {  	v15 =	vmax.f32 v19, $0.0e+00;
	v45 =	vmax.f32 v1, $0.0e+00;
	v16 =	vadd.f32 $2.000000000e+00, v6;
	v11 =	vpop (erf)  }
0x37: {  	v1 =	vadd.f32 v1, v30;
	(erf) = vrcp.f32 v12;
	v4 =	vmul.f32 v11, v4  }
0x38: {  	v24 =	vadd.f32 v24, v33;
	v23 =	vadd.f32 v23, v29;
	(erf) = vrcp.f32 v16  }
0x39: {  	s16 =	simm.s32 $0x18;
	v22 =	vadd.f32 v22, v28;
	v19 =	vadd.f32 v19, v27;
	v31 =	vmul.f32 v4, v4;
	v17 =	vpop (erf)  }
0x3a: {  	s19 =	simm.s32 $0x20;
	v12 =	vmax.f32 v21, $0.0e+00;
	v11 =	vor.u32 s16, v0;
	v2 =	vmul.f32 v17, v2;
	v17 =	vpop (erf)  }
0x3b: {  	v16 =	vor.u32 s19, v0;
	v32 =	vmul.f32 $1.428571490e-01, v31;
	v5 =	vmul.f32 v17, v5;
	v34 =	vpop (erf)  }
0x3c: {  	v4 =	vadd.f32 v4, v4;
	v35 =	vmul.f32 v2, v2;
	v7 =	vmul.f32 v34, v7;
	v46 =	vpop (erf)  }
0x3d: {  	v36 =	vadd.f32 v2, v2;
	v32 =	vadd.f32 $2.000000030e-01, v32;
	v25 =	vmul.f32 v46, v25;
	v47 =	vpop (erf)  }
0x3e: {  	v2 =	vmul.f32 v5, v5;
	v37 =	vadd.f32 v5, v5;
	v26 =	vmul.f32 v47, v26  }
0x3f: {  	v49 =	vmul.f32 v7, v7;
	v7 =	vadd.f32 v7, v7;
	v38 =	vmul.f32 v25, v25  }
0x40: {  	v5 =	vmul.f32 v32, v31;
	v39 =	vadd.f32 v25, v25;
	v25 =	vmul.f32 $1.428571490e-01, v35;
	v48 =	vpop (erf)  }
0x41: {  	v41 =	vadd.f32 v26, v26;
	v3 =	vmul.f32 v48, v3;
	v50 =	vpop (erf);
	v43 =	vmul.f32 $1.428571490e-01, v38  }
0x42: {  	v5 =	vadd.f32 $3.333333430e-01, v5;
	v32 =	vmul.f32 v50, v6;
	v6 =	vmul.f32 v26, v26  }
0x43: {  	v25 =	vadd.f32 $2.000000030e-01, v25;
	v26 =	vmul.f32 $1.428571490e-01, v49;
	v40 =	vmul.f32 v3, v3  }
0x44: {  	v5 =	vmul.f32 v5, v31;
	v42 =	vadd.f32 v3, v3;
	v3 =	vmul.f32 $1.428571490e-01, v2  }
0x45: {  	v43 =	vadd.f32 $2.000000030e-01, v43;
	v31 =	vmul.f32 v32, v32;
	v44 =	vmul.f32 $1.428571490e-01, v6  }
0x46: {  	v25 =	vmul.f32 v25, v35;
	v26 =	vadd.f32 $2.000000030e-01, v26;
	v5 =	vadd.f32 $1.000000000e+00, v5  }
0x47: {  	v30 =	vmul.f32 v43, v38;
	v46 =	vmul.f32 $1.428571490e-01, v31;
	v44 =	vadd.f32 $2.000000030e-01, v44  }
0x48: {  	s23 =	simm.s32 $0xD40;
	v3 =	vadd.f32 $2.000000030e-01, v3;
	v51 =	vmul.f32 v26, v49;
	v4 =	vmul.f32 v5, v4  }
0x49: {  	v54 =	vadd.f32 $3.333333430e-01, v25;
	v26 =	vld [tilespmem:s23+$0x30];
	v5 =	vmul.f32 $1.428571490e-01, v40;
	v52 =	vmul.f32 v44, v6  }
0x4a: {  	v3 =	vmul.f32 v3, v2;
	v30 =	vadd.f32 $3.333333430e-01, v30;
	v4 =	vadd.f32 v4, v45  }
0x4b: {  	v35 =	vmul.f32 v54, v35;
	v5 =	vadd.f32 $2.000000030e-01, v5;
	v43 =	vadd.f32 $3.333333430e-01, v52  }
0x4c: {  	v53 =	vadd.f32 $2.000000030e-01, v46;
	v30 =	vmul.f32 v30, v38;
	v4 =	vadd.f32 $9.999999930e-09, v4  }
0x4d: {  	v35 =	vadd.f32 $1.000000000e+00, v35;
	v5 =	vmul.f32 v5, v40;
	v6 =	vmul.f32 v43, v6  }
0x4e: {  	v56 =	vand.u32 $0x7FFFFFFF, v26;
	v25 =	vsel vm0, v1, v4;
	v1 =	vadd.f32 $3.333333430e-01, v3  }
0x4f: {  	v30 =	vadd.f32 $1.000000000e+00, v30;
	v4 =	vmul.f32 v53, v31;
	v58 =	vadd.f32 $1.000000000e+00, v6;
	v6 =	vld [tilespmem:s23+$0x10]  }
0x50: {  	s22 =	simm.s32 $0x30;
	v38 =	vsub.f32 $0.0e+00, v56;
	v3 =	vadd.f32 $3.333333430e-01, v51;
	v1 =	vmul.f32 v1, v2;
	v2 =	vld [tilespmem:s23+$0xFFFFFFC0]  }
0x51: {  	v17 =	vor.u32 s22, v0;
	v5 =	vadd.f32 $3.333333430e-01, v5;
	v44 =	vadd.f32 $3.333333430e-01, v4;
	v4 =	vld [tilespmem:s23+$0xFFFFFFE0]  }
0x52: {  	v38 =	vmul.f32 $1.442695020e+00, v38;
	v3 =	vmul.f32 v3, v49;
	v55 =	vadd.f32 $1.000000000e+00, v1;
	v1 =	vld [tilespmem:s23+$0xFFFFFFD0]  }
0x53: {  	v32 =	vadd.f32 v32, v32;
	v35 =	vmul.f32 v35, v36;
	v40 =	vmul.f32 v5, v40;
	v5 =	vld [tilespmem:s23+$0x0]  }
0x54: {  	v30 =	vmul.f32 v30, v39;
	(erf) = vpow2.f32 v38;
	v57 =	vadd.f32 $1.000000000e+00, v3;
	v3 =	vld [tilespmem:s23+$0xFFFFFFF0]  }
0x55: {  	v10 =	vadd.f32 v35, v10;
	v36 =	vmul.f32 v58, v41;
	v31 =	vmul.f32 v44, v31  }
0x56: {  	v34 =	vmul.f32 v55, v37;
	v61 =	vmul.f32 v57, v7;
	v59 =	vand.u32 $0x7FFFFFFF, v2  }
0x57: {  	v7 =	vld [tilespmem:s23+$0x20];
	v50 =	vand.u32 $0x7FFFFFFF, v6;
	v37 =	vsub.f32 $0.0e+00, v59;
	v60 =	vand.u32 $0x7FFFFFFF, v1  }
0x58: {  	v63 =	vand.u32 $0x7FFFFFFF, v4;
	v49 =	vand.u32 $0x7FFFFFFF, v5;
	v62 =	vsub.f32 $0.0e+00, v60  }
0x59: {  	v57 =	vld.idx.msk [tilespmem:v11+s3+$0x0], $0xffff;
	v43 =	vsub.f32 $0.0e+00, v63;
	v48 =	vand.u32 $0x7FFFFFFF, v3;
	v37 =	vmul.f32 $1.442695020e+00, v37  }
0x5a: {  	v46 =	vsub.f32 $0.0e+00, v50;
	v44 =	vsub.f32 $0.0e+00, v48;
	v39 =	vmul.f32 $1.442695020e+00, v62  }
0x5b: {  	v45 =	vsub.f32 $0.0e+00, v49;
	v43 =	vmul.f32 $1.442695020e+00, v43;
	(erf) = vpow2.f32 v37  }
0x5c: {  	v51 =	vand.u32 $0x7FFFFFFF, v7;
	v44 =	vmul.f32 $1.442695020e+00, v44;
	(erf) = vpow2.f32 v39  }
0x5d: {  	v52 =	vmul.f32 $1.442695020e+00, v45;
	v37 =	vsub.f32 $0.0e+00, v51;
	(erf) = vpow2.f32 v43  }
0x5e: {  	v30 =	vadd.f32 v30, v13;
	v53 =	vmul.f32 $1.442695020e+00, v46;
	(erf) = vpow2.f32 v44  }
0x5f: {  	v40 =	vadd.f32 $1.000000000e+00, v40;
	v54 =	vpop (erf);
	v37 =	vmul.f32 $1.442695020e+00, v37;
	(erf) = vpow2.f32 v52  }
0x60: {  	s13 =	simm.s32 $0x78;
	v30 =	vadd.f32 $9.999999930e-09, v30;
	v59 =	vld.idx.msk [tilespmem:v16+s3+$0x0], $0xffff;
	v56 =	vadd.f32 $2.000000000e+00, v54;
	(erf) = vpow2.f32 v53  }
0x61: {  	v31 =	vadd.f32 $1.000000000e+00, v31;
	v43 =	vld.idx.msk [tilespmem:v57+s8+$0x0], $0xffff;
	v57 =	vor.u32 s13, v0;
	(erf) = vpow2.f32 v37  }
0x62: {  	v58 =	vmul.f32 v40, v42;
	v60 =	vadd.f32 v61, v9;
	v61 =	vld.idx.msk [tilespmem:v17+s3+$0x0], $0xffff;
	(erf) = vrcp.f32 v56  }
0x63: {  	v14 =	vadd.f32 v36, v14;
	v11 =	vmax.f32 v2, $0.0e+00;
	v16 =	vmul.f32 v31, v32  }
0x64: {  	v13 =	vmax.f32 v5, $0.0e+00;
	v31 =	vadd.f32 v34, v8;
	v15 =	vadd.f32 v58, v15;
	v62 =	vpop (erf)  }
0x65: {  	v63 =	vadd.f32 $9.999999930e-09, v10;
	v8 =	vmax.f32 v1, $0.0e+00;
	v48 =	vadd.f32 v16, v12;
	v49 =	vpop (erf)  }
0x66: {  	v10 =	vmax.f32 v3, $0.0e+00;
	v31 =	vadd.f32 $9.999999930e-09, v31;
	v32 =	vadd.f32 $9.999999930e-09, v60;
	v60 =	vld.idx.msk [tilespmem:v57+s3+$0x0], $0xffff;
	v41 =	vpop (erf)  }
0x67: {  	v9 =	vmax.f32 v4, $0.0e+00;
	v16 =	vadd.f32 $9.999999930e-09, v14;
	v50 =	vadd.f32 $2.000000000e+00, v62;
	v42 =	vpop (erf)  }
0x68: {  	v17 =	vmax.f32 v6, $0.0e+00;
	v12 =	vadd.f32 $9.999999930e-09, v15;
	v51 =	vadd.f32 $2.000000000e+00, v49;
	v45 =	vpop (erf)  }
0x69: {  	v15 =	vmax.f32 v7, $0.0e+00;
	v37 =	vld.idx.msk [tilespmem:v59+s8+$0x0], $0xffff;
	v47 =	vadd.f32 $2.000000000e+00, v41;
	v52 =	vpop (erf);
	(erf) = vrcp.f32 v50  }
0x6a: {  	v14 =	vadd.f32 $9.999999930e-09, v48;
	v46 =	vsel vm0, v22, v32;
	v34 =	vld.idx.msk [tilespmem:v61+s8+$0x0], $0xffff;
	v53 =	vpop (erf);
	(erf) = vrcp.f32 v51  }
0x6b: {  	v55 =	vadd.f32 $2.000000000e+00, v42;
	v56 =	vadd.f32 $2.000000000e+00, v45;
	v29 =	vpop (erf);
	(erf) = vrcp.f32 v47  }
0x6c: {  	s29 =	simm.s32 $0x68;
	v28 =	vadd.f32 $2.000000000e+00, v52;
	v51 =	vmax.f32 v26, $0.0e+00;
	v39 =	vmul.f32 v29, v54  }
0x6d: {  	v59 =	vadd.f32 $2.000000000e+00, v53;
	v47 =	vor.u32 s29, v0;
	(erf) = vrcp.f32 v55  }
0x6e: {  	v50 =	vld.idx.msk [tilespmem:v60+s8+$0x0], $0xffff;
	v29 =	vadd.f32 v20, v43;
	v20 =	vadd.f32 v18, v37;
	v58 =	vmul.f32 v39, v39  }
0x6f: {  	v18 =	vadd.f32 v21, v34;
	v21 =	vsel vm0, v24, v63;
	(erf) = vrcp.f32 v56  }
0x70: {  	s24 =	simm.s32 $0x48;
	s28 =	simm.s32 $0x60;
	v24 =	vsel vm0, v23, v31;
	(erf) = vrcp.f32 v28;
	v27 =	vmul.f32 $1.428571490e-01, v58  }
0x71: {  	s26 =	simm.s32 $0x58;
	s31 =	simm.s32 $0x70;
	v23 =	vor.u32 s24, v0;
	v43 =	vor.u32 s28, v0;
	(erf) = vrcp.f32 v59  }
0x72: {  	v63 =	vor.u32 s31, v0;
	v28 =	vor.u32 s26, v0;
	v22 =	vadd.f32 $2.000000030e-01, v27;
	v31 =	vpop (erf)  }
0x73: {  	s25 =	simm.s32 $0x50;
	v39 =	vadd.f32 v39, v39;
	v26 =	vadd.f32 v26, v50;
	v31 =	vmul.f32 v31, v62;
	v61 =	vpop (erf)  }
0x74: {  	s30 =	simm.s32 $0x40;
	v27 =	vor.u32 s25, v0;
	v22 =	vmul.f32 v22, v58;
	v34 =	vmul.f32 v61, v49;
	v54 =	vpop (erf)  }
0x75: {  	v62 =	vor.u32 s30, v0;
	v49 =	vsel vm0, v29, v30;
	v36 =	vmul.f32 v54, v41  }
0x76: {  	v48 =	vmul.f32 v31, v31;
	v30 =	vpop (erf);
	v22 =	vadd.f32 $3.333333430e-01, v22;
	v41 =	vmul.f32 v34, v34  }
0x77: {  	v29 =	vadd.f32 v31, v31;
	v55 =	vmul.f32 v30, v42;
	v44 =	vmul.f32 v36, v36  }
0x78: {  	v30 =	vadd.f32 v34, v34;
	v31 =	vpop (erf);
	v59 =	vmul.f32 $1.428571490e-01, v48;
	v22 =	vmul.f32 v22, v58  }
0x79: {  	v23 =	vld.idx.msk [tilespmem:v23+s3+$0x0], $0xffff;
	v56 =	vmul.f32 v31, v45;
	v31 =	vpop (erf);
	v45 =	vmul.f32 v55, v55;
	v32 =	vadd.f32 v55, v55  }
0x7a: {  	v60 =	vld.idx.msk [tilespmem:v28+s3+$0x0], $0xffff;
	v28 =	vmul.f32 $1.428571490e-01, v41;
	v57 =	vmul.f32 v31, v52;
	v58 =	vpop (erf);
	v22 =	vadd.f32 $1.000000000e+00, v22  }
0x7b: {  	v42 =	vld.idx.msk [tilespmem:v43+s3+$0x0], $0xffff;
	v31 =	vadd.f32 v36, v36;
	v61 =	vmul.f32 $1.428571490e-01, v44;
	v33 =	vmul.f32 v58, v53  }
0x7c: {  	v27 =	vld.idx.msk [tilespmem:v27+s3+$0x0], $0xffff;
	v36 =	vmul.f32 v56, v56;
	v34 =	vadd.f32 v56, v56;
	v22 =	vmul.f32 v22, v39  }
0x7d: {  	v52 =	vld.idx.msk [tilespmem:v62+s3+$0x0], $0xffff;
	v62 =	vmul.f32 $1.428571490e-01, v45;
	v28 =	vadd.f32 $2.000000030e-01, v28;
	v35 =	vadd.f32 v57, v57  }
0x7e: {  	v37 =	vmul.f32 v57, v57;
	v43 =	vadd.f32 $2.000000030e-01, v61;
	v22 =	vadd.f32 v22, v51  }
0x7f: {  	v54 =	vld.idx.msk [tilespmem:v63+s3+$0x0], $0xffff;
	v38 =	vmul.f32 v33, v33;
	v39 =	vadd.f32 $2.000000030e-01, v59;
	v53 =	vmul.f32 $1.428571490e-01, v36  }
0x80: {  	s14 =	simm.s32 $0x2540;
	v47 =	vld.idx.msk [tilespmem:v47+s3+$0x0], $0xffff;
	v50 =	vadd.f32 $2.000000030e-01, v62;
	v56 =	vmul.f32 v28, v41;
	v22 =	vadd.f32 $9.999999930e-09, v22  }
0x81: {  	[tilespmem:s14+$0x30] =	vst v25;
	v63 =	vmul.f32 $1.428571490e-01, v37;
	v25 =	vmul.f32 v43, v44;
	v53 =	vadd.f32 $2.000000030e-01, v53  }
0x82: {  	[tilespmem:s14+$0xFFFFFFD0] =	vst v24;
	v24 =	vld.idx.msk [tilespmem:v60+s8+$0x0], $0xffff;
	v39 =	vmul.f32 v39, v48;
	v55 =	vsel vm0, v26, v22;
	v26 =	vmul.f32 $1.428571490e-01, v38  }
0x83: {  	[tilespmem:s14+$0xFFFFFFC0] =	vst v21;
	v59 =	vadd.f32 $3.333333430e-01, v56;
	v40 =	vadd.f32 $2.000000030e-01, v63;
	v21 =	vmul.f32 v53, v36;
	v22 =	vld.idx.msk [tilespmem:v23+s8+$0x0], $0xffff  }
0x84: {  	v39 =	vadd.f32 $3.333333430e-01, v39;
	v23 =	vld.idx.msk [tilespmem:v27+s8+$0x0], $0xffff;
	v27 =	vmul.f32 v50, v45;
	v26 =	vadd.f32 $2.000000030e-01, v26  }
0x85: {  	v60 =	vadd.f32 $3.333333430e-01, v25;
	v25 =	vld.idx.msk [tilespmem:v42+s8+$0x0], $0xffff;
	v43 =	vmul.f32 v59, v41;
	v58 =	vmul.f32 v40, v37  }
0x86: {  	[tilespmem:s14+$0xFFFFFFE0] =	vst v46;
	v28 =	vld.idx.msk [tilespmem:v52+s8+$0x0], $0xffff;
	v62 =	vmul.f32 v39, v48;
	v63 =	vadd.f32 $3.333333430e-01, v27;
	v61 =	vmul.f32 v26, v38  }
0x87: {  	s15 =	simm.s32 $0x25C0;
	[tilespmem:s14+$0xFFFFFFF0] =	vst v49;
	v44 =	vmul.f32 v60, v44;
	v40 =	vadd.f32 $3.333333430e-01, v21;
	v42 =	vadd.f32 $3.333333430e-01, v58;
	v27 =	vld.idx.msk [tilespmem:v54+s8+$0x0], $0xffff  }
0x88: {  	s17 =	simm.s32 $0xDC0;
	s16 =	simm.s32 $0x8;
	[tilespmem:s15+$0x30] =	vst v55;
	v41 =	vadd.f32 $1.000000000e+00, v62;
	v26 =	vld.idx.msk [tilespmem:v47+s8+$0x0], $0xffff;
	v45 =	vmul.f32 v63, v45;
	v39 =	vadd.f32 $3.333333430e-01, v61  }
.LBB2_2:
0x89: {  	v21 =	vld [tilespmem:s17+$0x30];
	s16 =	sadd.s32 $0x8, s16;
	v43 =	vadd.f32 $1.000000000e+00, v43;
	v36 =	vmul.f32 v40, v36;
	v40 =	vmul.f32 v42, v37  }
0x8a: {  	v39 =	vmul.f32 v39, v38;
	v37 =	vld [tilespmem:s17+$0xFFFFFFC0];
	p0 =	slt.u32 s16, $0x180;
	v42 =	vadd.f32 $1.000000000e+00, v44;
	v44 =	vadd.f32 $1.000000000e+00, v45  }
0x8b: {  	v29 =	vmul.f32 v41, v29;
	v38 =	vld [tilespmem:s17+$0xFFFFFFD0];
	v41 =	vadd.f32 $1.000000000e+00, v36;
	v40 =	vadd.f32 $1.000000000e+00, v40  }
0x8c: {  	v45 =	vadd.f32 v33, v33;
	v43 =	vmul.f32 v43, v30;
	v39 =	vadd.f32 $1.000000000e+00, v39;
	v36 =	vld [tilespmem:s17+$0xFFFFFFE0]  }
0x8d: {  	v46 =	vadd.f32 v29, v11;
	v42 =	vmul.f32 v42, v31;
	v32 =	vmul.f32 v44, v32;
	v33 =	vld [tilespmem:s17+$0xFFFFFFF0]  }
0x8e: {  	v34 =	vmul.f32 v41, v34;
	v35 =	vmul.f32 v40, v35;
	v30 =	vld [tilespmem:s17+$0x0];
	v11 =	vand.u32 $0x7FFFFFFF, v21  }
0x8f: {  	v39 =	vmul.f32 v39, v45;
	v31 =	vand.u32 $0x7FFFFFFF, v37;
	v29 =	vld [tilespmem:s17+$0x10];
	v40 =	vsub.f32 $0.0e+00, v11  }
0x90: {  	v11 =	vmax.f32 v37, $0.0e+00;
	v41 =	vsub.f32 $0.0e+00, v31;
	v44 =	vand.u32 $0x7FFFFFFF, v38;
	v31 =	vld [tilespmem:s17+$0x20]  }
0x91: {  	v44 =	vsub.f32 $0.0e+00, v44;
	v45 =	vand.u32 $0x7FFFFFFF, v36;
	v40 =	vmul.f32 $1.442695020e+00, v40  }
0x92: {  	v41 =	vmul.f32 $1.442695020e+00, v41;
	v45 =	vsub.f32 $0.0e+00, v45;
	v47 =	vand.u32 $0x7FFFFFFF, v33  }
0x93: {  	v47 =	vsub.f32 $0.0e+00, v47;
	v48 =	vand.u32 $0x7FFFFFFF, v30;
	(erf) = vpow2.f32 v40  }
0x94: {  	v40 =	vmul.f32 $1.442695020e+00, v44;
	v44 =	vsub.f32 $0.0e+00, v48;
	v48 =	vand.u32 $0x7FFFFFFF, v29  }
0x95: {  	v45 =	vmul.f32 $1.442695020e+00, v45;
	v48 =	vsub.f32 $0.0e+00, v48;
	v49 =	vand.u32 $0x7FFFFFFF, v31  }
0x96: {  	v47 =	vmul.f32 $1.442695020e+00, v47;
	v44 =	vmul.f32 $1.442695020e+00, v44;
	v49 =	vsub.f32 $0.0e+00, v49  }
0x97: {  	v50 =	vmax.f32 v38, $0.0e+00;
	v48 =	vmul.f32 $1.442695020e+00, v48;
	(erf) = vpow2.f32 v41  }
0x98: {  	v41 =	vmax.f32 v36, $0.0e+00;
	v49 =	vmul.f32 $1.442695020e+00, v49;
	(erf) = vpow2.f32 v40  }
0x99: {  	v51 =	vmax.f32 v30, $0.0e+00;
	v40 =	vmax.f32 v33, $0.0e+00;
	(erf) = vpow2.f32 v45  }
0x9a: {  	v52 =	vmax.f32 v31, $0.0e+00;
	v45 =	vmax.f32 v29, $0.0e+00;
	(erf) = vpow2.f32 v47  }
0x9b: {  	v43 =	vadd.f32 v43, v8;
	v42 =	vadd.f32 v42, v9;
	v8 =	vmovc v50;
	v9 =	vmovc v41;
	(erf) = vpow2.f32 v44  }
0x9c: {  	v32 =	vadd.f32 v32, v10;
	v34 =	vadd.f32 v34, v13;
	(erf) = vpow2.f32 v48;
	v41 =	vpop (erf)  }
0x9d: {  	v35 =	vadd.f32 v35, v17;
	v13 =	vmovc v51;
	v10 =	vmovc v40;
	v47 =	vadd.f32 $2.000000000e+00, v41;
	(erf) = vpow2.f32 v49  }
0x9e: {  	v16 =	vsel vm0, v20, v16;
	v39 =	vadd.f32 v39, v15;
	v15 =	vmovc v52;
	v40 =	vadd.f32 $9.999999930e-09, v46;
	v17 =	vmovc v45  }
0x9f: {  	v43 =	vadd.f32 $9.999999930e-09, v43;
	v42 =	vadd.f32 $9.999999930e-09, v42;
	(erf) = vrcp.f32 v47;
	[tilespmem:s14+$0x0] =	vst v16  }
0xa0: {  	v19 =	vsel vm0, v19, v12;
	v32 =	vadd.f32 $9.999999930e-09, v32;
	v16 =	vadd.f32 $9.999999930e-09, v34;
	v44 =	vpop (erf)  }
0xa1: {  	v18 =	vsel vm0, v18, v14;
	v12 =	vadd.f32 $9.999999930e-09, v35;
	v20 =	vadd.f32 $2.000000000e+00, v44;
	v34 =	vpop (erf);
	[tilespmem:s14+$0x10] =	vst v19  }
0xa2: {  	v14 =	vadd.f32 $9.999999930e-09, v39;
	v19 =	vadd.f32 $2.000000000e+00, v34;
	v35 =	vpop (erf);
	[tilespmem:s14+$0x20] =	vst v18;
	s14 =	smov.u32 s15  }
0xa3: {  	v28 =	vadd.f32 v2, v28;
	v18 =	vadd.f32 $2.000000000e+00, v35;
	(erf) = vrcp.f32 v20;
	v39 =	vpop (erf)  }
0xa4: {  	v22 =	vadd.f32 v1, v22;
	v48 =	vadd.f32 $2.000000000e+00, v39;
	(erf) = vrcp.f32 v19;
	v45 =	vpop (erf)  }
0xa5: {  	v23 =	vadd.f32 v4, v23;
	v19 =	vadd.f32 $2.000000000e+00, v45;
	(erf) = vrcp.f32 v18;
	v46 =	vpop (erf)  }
0xa6: {  	v24 =	vadd.f32 v3, v24;
	v18 =	vadd.f32 $2.000000000e+00, v46;
	(erf) = vrcp.f32 v48;
	v47 =	vpop (erf)  }
0xa7: {  	v2 =	vmovc v37;
	v1 =	vmovc v38;
	v20 =	vadd.f32 v5, v25;
	v48 =	vadd.f32 $2.000000000e+00, v47;
	(erf) = vrcp.f32 v19  }
0xa8: {  	v19 =	vadd.f32 v6, v26;
	(erf) = vrcp.f32 v18;
	v4 =	vpop (erf);
	v18 =	vadd.f32 v7, v27  }
0xa9: {  	s13 =	sadd.s32 $0x40, s13;
	v3 =	vmovc v33;
	v37 =	vsel vm0, v28, v40;
	v25 =	vmul.f32 v4, v41;
	(erf) = vrcp.f32 v48;
	v4 =	vmovc v36  }
0xaa: {  	s18 =	sadd.s32 $0xFFFFFFD0, s13;
	s19 =	sadd.s32 $0xFFFFFFD8, s13;
	s20 =	sadd.s32 $0xFFFFFFE0, s13;
	v33 =	vsel vm0, v22, v43;
	v22 =	vsel vm0, v23, v42;
	v5 =	vmovc v30;
	v26 =	vor.u32 s13, v0;
	[tilespmem:s15+$0xFFFFFFC0] =	vst v37  }
0xab: {  	s21 =	sadd.s32 $0xFFFFFFF8, s13;
	v23 =	vor.u32 s18, v0;
	s18 =	sadd.s32 $0xFFFFFFE8, s13;
	v6 =	vmovc v29;
	v27 =	vor.u32 s19, v0;
	s19 =	sadd.s32 $0xFFFFFFF0, s13;
	v7 =	vmovc v31;
	v28 =	vmul.f32 v25, v25;
	[tilespmem:s15+$0xFFFFFFD0] =	vst v33  }
0xac: {  	s22 =	sadd.s32 $0xFFFFFFC8, s13;
	v36 =	vor.u32 s18, v0;
	v38 =	vor.u32 s19, v0;
	v33 =	vor.u32 s20, v0;
	v29 =	vpop (erf);
	[tilespmem:s15+$0xFFFFFFE0] =	vst v22  }
0xad: {  	v22 =	vor.u32 s22, v0;
	v29 =	vmul.f32 v29, v44;
	v37 =	vmul.f32 $1.428571490e-01, v28;
	v31 =	vpop (erf)  }
0xae: {  	v24 =	vsel vm0, v24, v32;
	v40 =	vor.u32 s21, v0;
	v31 =	vmul.f32 v31, v34;
	v34 =	vpop (erf)  }
0xaf: {  	v41 =	vmul.f32 v29, v29;
	v43 =	vmul.f32 v34, v35;
	v26 =	vld.idx.msk [tilespmem:v26+s3+$0x0], $0xffff;
	v34 =	vadd.f32 $2.000000030e-01, v37;
	v30 =	vpop (erf);
	[tilespmem:s15+$0xFFFFFFF0] =	vst v24  }
0xb0: {  	v29 =	vadd.f32 v29, v29;
	v23 =	vld.idx.msk [tilespmem:v23+s3+$0x0], $0xffff;
	v42 =	vmul.f32 v31, v31;
	v24 =	vmul.f32 v30, v39;
	v35 =	vpop (erf)  }
0xb1: {  	v30 =	vadd.f32 v31, v31;
	v27 =	vld.idx.msk [tilespmem:v27+s3+$0x0], $0xffff;
	v35 =	vmul.f32 v35, v45;
	v34 =	vmul.f32 v34, v28;
	v37 =	vpop (erf)  }
0xb2: {  	v44 =	vmul.f32 v43, v43;
	v31 =	vadd.f32 v43, v43;
	v39 =	vld.idx.msk [tilespmem:v22+s3+$0x0], $0xffff;
	v22 =	vmul.f32 v37, v46;
	v32 =	vpop (erf)  }
0xb3: {  	v45 =	vmul.f32 v24, v24;
	v43 =	vld.idx.msk [tilespmem:v33+s3+$0x0], $0xffff;
	v33 =	vmul.f32 v32, v47;
	v46 =	vadd.f32 $3.333333430e-01, v34  }
0xb4: {  	v32 =	vadd.f32 v24, v24;
	v47 =	vld.idx.msk [tilespmem:v36+s3+$0x0], $0xffff;
	v36 =	vmul.f32 v35, v35;
	v37 =	vmul.f32 v22, v22  }
0xb5: {  	v34 =	vadd.f32 v35, v35;
	v48 =	vld.idx.msk [tilespmem:v38+s3+$0x0], $0xffff;
	v38 =	vmul.f32 v33, v33;
	v24 =	vmul.f32 v46, v28  }
0xb6: {  	v35 =	vadd.f32 v22, v22;
	v28 =	vmul.f32 $1.428571490e-01, v41;
	v46 =	vmul.f32 $1.428571490e-01, v42;
	v40 =	vld.idx.msk [tilespmem:v40+s3+$0x0], $0xffff  }
0xb7: {  	v25 =	vadd.f32 v25, v25;
	v49 =	vmul.f32 $1.428571490e-01, v44;
	v50 =	vld.idx.msk [tilespmem:v26+s8+$0x0], $0xffff;
	v24 =	vadd.f32 $1.000000000e+00, v24  }
0xb8: {  	v51 =	vmul.f32 $1.428571490e-01, v45;
	v52 =	vmul.f32 $1.428571490e-01, v36;
	v26 =	vadd.f32 $2.000000030e-01, v28;
	v22 =	vld.idx.msk [tilespmem:v23+s8+$0x0], $0xffff  }
0xb9: {  	v46 =	vadd.f32 $2.000000030e-01, v46;
	v23 =	vld.idx.msk [tilespmem:v27+s8+$0x0], $0xffff;
	v27 =	vmul.f32 $1.428571490e-01, v37;
	v25 =	vmul.f32 v24, v25  }
0xba: {  	v53 =	vmax.f32 v21, $0.0e+00;
	v28 =	vld.idx.msk [tilespmem:v39+s8+$0x0], $0xffff;
	v39 =	vadd.f32 $2.000000030e-01, v49;
	v49 =	vmul.f32 $1.428571490e-01, v38  }
0xbb: {  	v54 =	vmul.f32 v26, v41;
	v24 =	vld.idx.msk [tilespmem:v43+s8+$0x0], $0xffff;
	v43 =	vadd.f32 $2.000000030e-01, v51;
	v51 =	vadd.f32 v25, v53  }
0xbc: {  	v46 =	vmul.f32 v46, v42;
	v25 =	vld.idx.msk [tilespmem:v47+s8+$0x0], $0xffff;
	v47 =	vadd.f32 $2.000000030e-01, v52;
	v52 =	vadd.f32 $2.000000030e-01, v27  }
0xbd: {  	v39 =	vmul.f32 v39, v44;
	v21 =	vadd.f32 v21, v50;
	v26 =	vld.idx.msk [tilespmem:v48+s8+$0x0], $0xffff;
	v48 =	vadd.f32 $9.999999930e-09, v51  }
0xbe: {  	v43 =	vmul.f32 v43, v45;
	v47 =	vmul.f32 v47, v36;
	v27 =	vld.idx.msk [tilespmem:v40+s8+$0x0], $0xffff;
	v40 =	vadd.f32 $2.000000030e-01, v49  }
.Ltmp0:
0xbf: {  	s15 =	sadd.s32 $0x80, s15;
	v49 =	vadd.f32 $3.333333430e-01, v54;
	v50 =	vmul.f32 v52, v37;
	v21 =	vsel vm0, v21, v48;
	(pc) =	sbr.rel @p0 .LBB2_2-.Ltmp0, $4  }
0xc0: {  	v46 =	vadd.f32 $3.333333430e-01, v46;
	v48 =	vadd.f32 $3.333333430e-01, v39;
	v39 =	vmul.f32 v40, v38;
	[tilespmem:s15+$0x30] =	vst v21  }
0xc1: {  	v21 =	vmul.f32 v49, v41;
	v49 =	vadd.f32 $3.333333430e-01, v43;
	v40 =	vadd.f32 $3.333333430e-01, v47  }
0xc2: {  	v43 =	vmul.f32 v46, v42;
	v42 =	vadd.f32 $3.333333430e-01, v50;
	v39 =	vadd.f32 $3.333333430e-01, v39  }
0xc3: {  	s17 =	sadd.s32 $0x80, s17;
	v44 =	vmul.f32 v48, v44;
	v41 =	vadd.f32 $1.000000000e+00, v21;
	v45 =	vmul.f32 v49, v45  }
0xc4: {  	v36 =	vmul.f32 v40, v36  }
0xc5: {  	v21 =	vadd.f32 $1.000000000e+00, v43;
	v37 =	vmul.f32 v42, v37;
	v38 =	vmul.f32 v39, v38  }
0xc6: {  	v33 =	vadd.f32 v33, v33;
	v16 =	vsel vm0, v20, v16;
	v2 =	vadd.f32 v2, v28  }
0xc7: {  	v12 =	vsel vm0, v19, v12;
	v1 =	vadd.f32 v1, v22;
	v4 =	vadd.f32 v4, v23  }
0xc8: {  	v62 =	vsel vm0, v18, v14;
	v3 =	vadd.f32 v3, v24;
	v5 =	vadd.f32 v5, v25  }
0xc9: {  	v55 =	vadd.f32 $1.000000000e+00, v44;
	v56 =	vadd.f32 $1.000000000e+00, v45;
	v29 =	vmul.f32 v41, v29  }
0xca: {  	v36 =	vadd.f32 $1.000000000e+00, v36;
	v37 =	vadd.f32 $1.000000000e+00, v37;
	v21 =	vmul.f32 v21, v30  }
0xcb: {  	v57 =	vadd.f32 $1.000000000e+00, v38;
	v31 =	vmul.f32 v55, v31;
	v11 =	vadd.f32 v29, v11  }
0xcc: {  	v58 =	vmul.f32 v56, v32;
	v59 =	vmul.f32 v36, v34;
	v8 =	vadd.f32 v21, v8  }
0xcd: {  	[tilespmem:s14+$0x0] =	vst v16;
	v60 =	vmul.f32 v37, v35;
	v9 =	vadd.f32 v31, v9;
	v11 =	vadd.f32 $9.999999930e-09, v11  }
0xce: {  	[tilespmem:s14+$0x10] =	vst v12;
	v61 =	vmul.f32 v57, v33;
	v10 =	vadd.f32 v58, v10;
	v8 =	vadd.f32 $9.999999930e-09, v8  }
0xcf: {  	[tilespmem:s14+$0x20] =	vst v62;
	v13 =	vadd.f32 v59, v13;
	v9 =	vadd.f32 $9.999999930e-09, v9;
	v2 =	vsel vm0, v2, v11  }
0xd0: {  	v17 =	vadd.f32 v60, v17;
	v10 =	vadd.f32 $9.999999930e-09, v10;
	[tilespmem:s15+$0xFFFFFFC0] =	vst v2;
	v1 =	vsel vm0, v1, v8  }
0xd1: {  	v15 =	vadd.f32 v61, v15;
	v2 =	vadd.f32 $9.999999930e-09, v13;
	v4 =	vsel vm0, v4, v9;
	[tilespmem:s15+$0xFFFFFFD0] =	vst v1  }
0xd2: {  	v6 =	vadd.f32 v6, v26;
	v1 =	vadd.f32 $9.999999930e-09, v17;
	v3 =	vsel vm0, v3, v10;
	[tilespmem:s15+$0xFFFFFFE0] =	vst v4  }
0xd3: {  	v7 =	vadd.f32 v7, v27;
	v63 =	vadd.f32 $9.999999930e-09, v15;
	[tilespmem:s15+$0xFFFFFFF0] =	vst v3;
	v2 =	vsel vm0, v5, v2  }
0xd4: {  	s12 =	sadd.s32 $0x1, s12;
	[tilespmem:s15+$0x0] =	vst v2;
	v1 =	vsel vm0, v6, v1  }
0xd5: {  	p0 =	sne.s32 s12, s7;
	[tilespmem:s15+$0x10] =	vst v1;
	v1 =	vsel vm0, v7, v63  }
.Ltmp1:
0xd6: {  	[tilespmem:s15+$0x20] =	vst v1;
	(pc) =	sbr.rel @p0 .LBB2_1-.Ltmp1, $4  }
0xd7: {  	[hbm4b:s6+s3] =	stream.linear.scatter [tilespmem:s11], [sflag:$0x1], $0x1880, $0x38;
	[tilespmem:$0x3E00] =	vst v63  }
0xd8: {  	_ =	swait.ge [sflag:s9], $0x1880  }
0xd9: {  	[sflag:s9] =	ssyncset.done $0x0  }
0xda: {  	[sflag:s9] =	ssyncadd.s32 $0xFFFFE780  }
0xdb: {  	_ =	sfence.sel $0x180000  }
0xdc: {  	[bflag:$0x0] =	sbarrier.arrive $0xFFFF  }
0xdd: {  	p0 =	sne.s32 s0, $0x0;
	_ =	strace $0x90000047  }
0xde: {  	s0 =	sadd.s32 @!p0 $0x100000, s1;
	[bflag:$0x2] =	sbarrier.arrive $0xFFFF  }
0xdf: {  	[sflag:s0] =	ssyncadd.tile.s32 @!p0 $0x1;
	_ =	shalt  }
.Lfunc_end2:
_tile_overlayer_lowered:
.L_overlay_start_2:
0xe0: {  	(tag) =	ssettag $0x2  }
0xe1: {  	s0 =	rddreg [dreg:$0x0];
	s2 =	stileid.u32  }
0xe2: {  	s1 =	rddreg [dreg:$0x1];
	p0 =	sne.s32 s2, $0x0  }
0xe3: {  	s3 =	rddreg [dreg:$0x2];
	[bflag:$0x3] =	sbarrier.arrive $0xFFFF;
	s2 =	simm.s32 @!p0 $0x1C01  }
0xe4: {  	[timem:s3], [sflag:s2] =	dma.local @!p0 [hbm:s0], s1  }
0xe5: {  	s0 =	simm.s32 @!p0 $0x1  }
0xe6: {  	_ =	swait.ge @!p0 [sflag:s0], s1  }
0xe7: {  	s1 =	ssub.s32 @!p0 $0x0, s1;
	[sflag:s0] =	ssyncset.done @!p0 $0x0  }
0xe8: {  	[sflag:s0] =	ssyncadd.s32 @!p0 s1  }
0xe9: {  	[bflag:$0x3] =	sbarrier.arrive $0xFFFF  }
0xea: {  	_ =	shalt  }

</sc_bundles>
